<compile_context>
chip_gen: v7x
topology: tpu7x:2x2x1
jax: 0.10.2.dev20260603
libtpu: 0.0.44.dev20260713+nightly
codegen_flags: <defaults>
</compile_context>

<pallas_src>
import functools

import jax
import jax.numpy as jnp
from jax import lax
from jax.experimental import pallas as pl
from jax.experimental.pallas import tpu as pltpu
from jax.experimental.pallas import tpu_sc as plsc

L = 16384
DIM = 64
VOCAB = 1000000
HIST = 1 << 20
NC = 2
NS = 16
NW = NC * NS
PER_TILE = L // NW
SCHUNK = 128
NSCHUNK = PER_TILE // SCHUNK
ZBUF = 8192
ZREP = HIST // NS // ZBUF

BLK = 49152
NBLK = -(-VOCAB // BLK)


def _sc_histograms(token_ids):
    mesh = plsc.VectorSubcoreMesh(core_axis_name="c", subcore_axis_name="s")

    @functools.partial(
        pl.kernel,
        mesh=mesh,
        out_type=(jax.ShapeDtypeStruct((HIST,), jnp.float32),
                  jax.ShapeDtypeStruct((HIST,), jnp.float32)),
        scratch_types=[
            pltpu.VMEM((NSCHUNK, SCHUNK), jnp.int32),
            pltpu.VMEM((SCHUNK,), jnp.float32),
            pltpu.VMEM((ZBUF,), jnp.float32),
            pltpu.VMEM_SHARED((HIST,), jnp.float32),
            pltpu.SemaphoreType.DMA,
        ],
    )
    def k(tok_hbm, out0_hbm, out1_hbm, idx_v, ones_v, zbuf_v, hist_sh, zsem):
        c = lax.axis_index("c")
        s = lax.axis_index("s")
        wid = s * NC + c
        base = wid * PER_TILE

        for q in range(NSCHUNK):
            pltpu.sync_copy(tok_hbm.at[pl.ds(base + q * SCHUNK, SCHUNK)],
                            idx_v.at[q])

        one16 = jnp.full((16,), 1.0, jnp.float32)
        for i in range(SCHUNK // 16):
            ones_v[pl.ds(i * 16, 16)] = one16

        z16 = jnp.zeros((16,), jnp.float32)

        def zfill(i, _):
            zbuf_v[pl.ds(i * 16, 16)] = z16
            return 0

        lax.fori_loop(0, ZBUF // 16, zfill, 0)

        zdescs = [
            pltpu.async_copy(
                zbuf_v,
                hist_sh.at[pl.ds((s * ZREP + r) * ZBUF, ZBUF)],
                zsem)
            for r in range(ZREP)
        ]
        for d in zdescs:
            d.wait()

        plsc.subcore_barrier()

        for q in range(NSCHUNK):
            pltpu.sync_copy(ones_v, hist_sh.at[idx_v.at[q]], add=True)

        plsc.subcore_barrier()

        @pl.when(jnp.logical_and(s == 0, c == 0))
        def _emit0():
            pltpu.sync_copy(hist_sh, out0_hbm)

        @pl.when(jnp.logical_and(s == 0, c == 1))
        def _emit1():
            pltpu.sync_copy(hist_sh, out1_hbm)

    return k(token_ids)


def _scan_body(tab_ref, c0_ref, c1_ref, w_ref, o_ref, acc_ref):
    i = pl.program_id(0)

    @pl.when(i == 0)
    def _init():
        acc_ref[...] = jnp.zeros_like(acc_ref)

    cnt = c0_ref[...] + c1_ref[...]
    contrib = lax.dot_general(
        cnt, tab_ref[...], (((1,), (1,)), ((), ())),
        preferred_element_type=jnp.float32)
    acc_ref[...] += contrib

    @pl.when(i == NBLK - 1)
    def _fin():
        pooled = acc_ref[...] * (1.0 / L)
        o_ref[...] = lax.dot_general(
            pooled, w_ref[...], (((1,), (1,)), ((), ())),
            preferred_element_type=jnp.float32)


def kernel(token_ids, table, W):
    c0, c1 = _sc_histograms(token_ids)
    tab_t = table.T
    return pl.pallas_call(
        _scan_body,
        grid=(NBLK,),
        in_specs=[
            pl.BlockSpec((DIM, BLK), lambda i: (0, i)),
            pl.BlockSpec((1, BLK), lambda i: (0, i)),
            pl.BlockSpec((1, BLK), lambda i: (0, i)),
            pl.BlockSpec((DIM, DIM), lambda i: (0, 0)),
        ],
        out_specs=pl.BlockSpec((1, DIM), lambda i: (0, 0)),
        out_shape=jax.ShapeDtypeStruct((1, DIM), jnp.float32),
        scratch_shapes=[pltpu.VMEM((1, DIM), jnp.float32)],
    )(tab_t, c0.reshape(1, HIST), c1.reshape(1, HIST), W)

# --- scband reference (transcript-rebuilt; emitter-appended) ---
"""Pipeline reference for scband-input-adapter-42460046688293 (READ-ONLY COPY).

The authoritative reference and input builder live on the scoring server;
editing this copy changes nothing except your own understanding.
"""

import jax, jax.numpy as jnp
import numpy as np

VOCAB = 1000000
DIM = 64
L = 16384

def setup_inputs(seed: int = 0) -> dict:
    key = jax.random.key(seed)
    k1, k2, k3 = jax.random.split(key, 3)
    token_ids = jax.random.randint(k1, (L,), 0, VOCAB, dtype=jnp.int32)
    table = jax.random.normal(k2, (VOCAB, DIM), dtype=jnp.float32) * 0.02
    W = jax.random.normal(k3, (DIM, DIM), dtype=jnp.float32) * 0.02
    return {"token_ids": token_ids, "table": table, "W": W}

def reference(token_ids, table, W):
    # e = embedding(token_ids)
    e = jnp.take(table, token_ids, axis=0)          # [L, DIM] gather
    # pooled = e.mean(dim=0, keepdim=True)
    pooled = jnp.mean(e, axis=0, keepdims=True)     # [1, DIM]
    # compress = Linear(dim, dim, bias=False): y = pooled @ W.T
    return pooled @ W.T                             # [1, DIM]

if __name__ == "__main__":
    import jax
    _d = setup_inputs()
    print(jax.jit(kernel)(*tuple(_d.values())))

</pallas_src>

<mosaic_0001>
#map = affine_map<(d0, d1) -> (0)>
module attributes {stable_mosaic.version = 14 : i64} {
  func.func @k(%arg0: i32, %arg1: i32, %arg2: memref<16384xi32, #tpu.memory_space<hbm>>, %arg3: memref<1048576xf32, #tpu.memory_space<hbm>>, %arg4: memref<1048576xf32, #tpu.memory_space<hbm>>, %arg5: memref<4x128xi32, #tpu.memory_space<vmem>>, %arg6: memref<128xf32, #tpu.memory_space<vmem>>, %arg7: memref<8192xf32, #tpu.memory_space<vmem>>, %arg8: memref<1048576xf32, #tpu.memory_space<vmem_shared>>, %arg9: memref<!tpu.dma_semaphore, #tpu.memory_space<semaphore_mem>>) attributes {dimension_semantics = [#tpu.dimension_semantics<core_parallel>, #tpu.dimension_semantics<subcore_parallel>], iteration_bounds = array<i64: 2, 16>, scalar_prefetch = 0 : i64, scratch_operands = 5 : i64, tpu.core_type = #tpu.core_type<sc_vector_subcore>, window_params = [{transform_indices = #map}, {transform_indices = #map}, {transform_indices = #map}]} {
    %mul3A = arith.constant 2 : i32
    %mul3A_0 = arith.muli %arg1, %mul3A : i32
    %add3A = arith.addi %mul3A_0, %arg0 : i32
    %mul3A_1 = arith.constant 512 : i32
    %mul3A_2 = arith.muli %add3A, %mul3A_1 : i32
    %add3A_3 = arith.constant 0 : i32
    %add3A_4 = arith.addi %mul3A_2, %add3A_3 : i32
    %run_scoped3A = arith.constant 0 : i32
    "tpu.region"() ({
      %run_scoped3A_149 = tpu.sem_alloc : memref<!tpu.dma_semaphore, #tpu.memory_space<semaphore_mem>>
      %dma_start3A_150 = arith.constant 0 : i32
      %dma_start3A_151 = tpu.memref_slice %arg5[%run_scoped3A, %dma_start3A_150] : memref<4x128xi32, #tpu.memory_space<vmem>> -> memref<1x128xi32, #tpu.memory_space<vmem>>
      %dma_start3A_152 = tpu.memref_squeeze %dma_start3A_151 : memref<1x128xi32, #tpu.memory_space<vmem>> -> memref<128xi32, #tpu.memory_space<vmem>>
      %dma_start3A_153 = tpu.memref_slice %arg2[%add3A_4] : memref<16384xi32, #tpu.memory_space<hbm>> -> memref<128xi32, #tpu.memory_space<hbm>>
      %dma_start3A_154 = arith.constant 0 : i32
      %dma_start3A_155 = tpu.memref_slice %arg5[%run_scoped3A, %dma_start3A_154] : memref<4x128xi32, #tpu.memory_space<vmem>> -> memref<1x128xi32, #tpu.memory_space<vmem>>
      %dma_start3A_156 = tpu.memref_squeeze %dma_start3A_155 : memref<1x128xi32, #tpu.memory_space<vmem>> -> memref<128xi32, #tpu.memory_space<vmem>>
      %dma_start3A_157 = tpu.memref_slice %arg2[%add3A_4] : memref<16384xi32, #tpu.memory_space<hbm>> -> memref<128xi32, #tpu.memory_space<hbm>>
      tpu.enqueue_dma source(%dma_start3A_157 : memref<128xi32, #tpu.memory_space<hbm>>) target(%dma_start3A_156 : memref<128xi32, #tpu.memory_space<vmem>>) target_semaphore(%run_scoped3A_149 : memref<!tpu.dma_semaphore, #tpu.memory_space<semaphore_mem>>)
      %dma_wait3A_158 = arith.constant 0 : i32
      %dma_wait3A_159 = tpu.memref_slice %arg5[%run_scoped3A, %dma_wait3A_158] : memref<4x128xi32, #tpu.memory_space<vmem>> -> memref<1x128xi32, #tpu.memory_space<vmem>>
      %dma_wait3A_160 = tpu.memref_squeeze %dma_wait3A_159 : memref<1x128xi32, #tpu.memory_space<vmem>> -> memref<128xi32, #tpu.memory_space<vmem>>
      %dma_wait3A_161 = tpu.memref_slice %arg2[%add3A_4] : memref<16384xi32, #tpu.memory_space<hbm>> -> memref<128xi32, #tpu.memory_space<hbm>>
      %dma_wait3A_162 = arith.constant 0 : i32
      %dma_wait3A_163 = tpu.memref_slice %arg5[%run_scoped3A, %dma_wait3A_162] : memref<4x128xi32, #tpu.memory_space<vmem>> -> memref<1x128xi32, #tpu.memory_space<vmem>>
      %dma_wait3A_164 = tpu.memref_squeeze %dma_wait3A_163 : memref<1x128xi32, #tpu.memory_space<vmem>> -> memref<128xi32, #tpu.memory_space<vmem>>
      %dma_wait3A_165 = tpu.memref_slice %arg2[%add3A_4] : memref<16384xi32, #tpu.memory_space<hbm>> -> memref<128xi32, #tpu.memory_space<hbm>>
      tpu.wait_dma2 semaphore(%run_scoped3A_149 : memref<!tpu.dma_semaphore, #tpu.memory_space<semaphore_mem>>) src(%dma_wait3A_165 : memref<128xi32, #tpu.memory_space<hbm>>) dst(%dma_wait3A_164 : memref<128xi32, #tpu.memory_space<vmem>>)
      tpu.yield
    }) : () -> ()
    %add3A_5 = arith.constant 128 : i32
    %add3A_6 = arith.addi %mul3A_2, %add3A_5 : i32
    %run_scoped3A_7 = arith.constant 1 : i32
    "tpu.region"() ({
      %run_scoped3A_149 = tpu.sem_alloc : memref<!tpu.dma_semaphore, #tpu.memory_space<semaphore_mem>>
      %dma_start3A_150 = arith.constant 0 : i32
      %dma_start3A_151 = tpu.memref_slice %arg5[%run_scoped3A_7, %dma_start3A_150] : memref<4x128xi32, #tpu.memory_space<vmem>> -> memref<1x128xi32, #tpu.memory_space<vmem>>
      %dma_start3A_152 = tpu.memref_squeeze %dma_start3A_151 : memref<1x128xi32, #tpu.memory_space<vmem>> -> memref<128xi32, #tpu.memory_space<vmem>>
      %dma_start3A_153 = tpu.memref_slice %arg2[%add3A_6] : memref<16384xi32, #tpu.memory_space<hbm>> -> memref<128xi32, #tpu.memory_space<hbm>>
      %dma_start3A_154 = arith.constant 0 : i32
      %dma_start3A_155 = tpu.memref_slice %arg5[%run_scoped3A_7, %dma_start3A_154] : memref<4x128xi32, #tpu.memory_space<vmem>> -> memref<1x128xi32, #tpu.memory_space<vmem>>
      %dma_start3A_156 = tpu.memref_squeeze %dma_start3A_155 : memref<1x128xi32, #tpu.memory_space<vmem>> -> memref<128xi32, #tpu.memory_space<vmem>>
      %dma_start3A_157 = tpu.memref_slice %arg2[%add3A_6] : memref<16384xi32, #tpu.memory_space<hbm>> -> memref<128xi32, #tpu.memory_space<hbm>>
      tpu.enqueue_dma source(%dma_start3A_157 : memref<128xi32, #tpu.memory_space<hbm>>) target(%dma_start3A_156 : memref<128xi32, #tpu.memory_space<vmem>>) target_semaphore(%run_scoped3A_149 : memref<!tpu.dma_semaphore, #tpu.memory_space<semaphore_mem>>)
      %dma_wait3A_158 = arith.constant 0 : i32
      %dma_wait3A_159 = tpu.memref_slice %arg5[%run_scoped3A_7, %dma_wait3A_158] : memref<4x128xi32, #tpu.memory_space<vmem>> -> memref<1x128xi32, #tpu.memory_space<vmem>>
      %dma_wait3A_160 = tpu.memref_squeeze %dma_wait3A_159 : memref<1x128xi32, #tpu.memory_space<vmem>> -> memref<128xi32, #tpu.memory_space<vmem>>
      %dma_wait3A_161 = tpu.memref_slice %arg2[%add3A_6] : memref<16384xi32, #tpu.memory_space<hbm>> -> memref<128xi32, #tpu.memory_space<hbm>>
      %dma_wait3A_162 = arith.constant 0 : i32
      %dma_wait3A_163 = tpu.memref_slice %arg5[%run_scoped3A_7, %dma_wait3A_162] : memref<4x128xi32, #tpu.memory_space<vmem>> -> memref<1x128xi32, #tpu.memory_space<vmem>>
      %dma_wait3A_164 = tpu.memref_squeeze %dma_wait3A_163 : memref<1x128xi32, #tpu.memory_space<vmem>> -> memref<128xi32, #tpu.memory_space<vmem>>
      %dma_wait3A_165 = tpu.memref_slice %arg2[%add3A_6] : memref<16384xi32, #tpu.memory_space<hbm>> -> memref<128xi32, #tpu.memory_space<hbm>>
      tpu.wait_dma2 semaphore(%run_scoped3A_149 : memref<!tpu.dma_semaphore, #tpu.memory_space<semaphore_mem>>) src(%dma_wait3A_165 : memref<128xi32, #tpu.memory_space<hbm>>) dst(%dma_wait3A_164 : memref<128xi32, #tpu.memory_space<vmem>>)
      tpu.yield
    }) : () -> ()
    %add3A_8 = arith.constant 256 : i32
    %add3A_9 = arith.addi %mul3A_2, %add3A_8 : i32
    %run_scoped3A_10 = arith.constant 2 : i32
    "tpu.region"() ({
      %run_scoped3A_149 = tpu.sem_alloc : memref<!tpu.dma_semaphore, #tpu.memory_space<semaphore_mem>>
      %dma_start3A_150 = arith.constant 0 : i32
      %dma_start3A_151 = tpu.memref_slice %arg5[%run_scoped3A_10, %dma_start3A_150] : memref<4x128xi32, #tpu.memory_space<vmem>> -> memref<1x128xi32, #tpu.memory_space<vmem>>
      %dma_start3A_152 = tpu.memref_squeeze %dma_start3A_151 : memref<1x128xi32, #tpu.memory_space<vmem>> -> memref<128xi32, #tpu.memory_space<vmem>>
      %dma_start3A_153 = tpu.memref_slice %arg2[%add3A_9] : memref<16384xi32, #tpu.memory_space<hbm>> -> memref<128xi32, #tpu.memory_space<hbm>>
      %dma_start3A_154 = arith.constant 0 : i32
      %dma_start3A_155 = tpu.memref_slice %arg5[%run_scoped3A_10, %dma_start3A_154] : memref<4x128xi32, #tpu.memory_space<vmem>> -> memref<1x128xi32, #tpu.memory_space<vmem>>
      %dma_start3A_156 = tpu.memref_squeeze %dma_start3A_155 : memref<1x128xi32, #tpu.memory_space<vmem>> -> memref<128xi32, #tpu.memory_space<vmem>>
      %dma_start3A_157 = tpu.memref_slice %arg2[%add3A_9] : memref<16384xi32, #tpu.memory_space<hbm>> -> memref<128xi32, #tpu.memory_space<hbm>>
      tpu.enqueue_dma source(%dma_start3A_157 : memref<128xi32, #tpu.memory_space<hbm>>) target(%dma_start3A_156 : memref<128xi32, #tpu.memory_space<vmem>>) target_semaphore(%run_scoped3A_149 : memref<!tpu.dma_semaphore, #tpu.memory_space<semaphore_mem>>)
      %dma_wait3A_158 = arith.constant 0 : i32
      %dma_wait3A_159 = tpu.memref_slice %arg5[%run_scoped3A_10, %dma_wait3A_158] : memref<4x128xi32, #tpu.memory_space<vmem>> -> memref<1x128xi32, #tpu.memory_space<vmem>>
      %dma_wait3A_160 = tpu.memref_squeeze %dma_wait3A_159 : memref<1x128xi32, #tpu.memory_space<vmem>> -> memref<128xi32, #tpu.memory_space<vmem>>
      %dma_wait3A_161 = tpu.memref_slice %arg2[%add3A_9] : memref<16384xi32, #tpu.memory_space<hbm>> -> memref<128xi32, #tpu.memory_space<hbm>>
      %dma_wait3A_162 = arith.constant 0 : i32
      %dma_wait3A_163 = tpu.memref_slice %arg5[%run_scoped3A_10, %dma_wait3A_162] : memref<4x128xi32, #tpu.memory_space<vmem>> -> memref<1x128xi32, #tpu.memory_space<vmem>>
      %dma_wait3A_164 = tpu.memref_squeeze %dma_wait3A_163 : memref<1x128xi32, #tpu.memory_space<vmem>> -> memref<128xi32, #tpu.memory_space<vmem>>
      %dma_wait3A_165 = tpu.memref_slice %arg2[%add3A_9] : memref<16384xi32, #tpu.memory_space<hbm>> -> memref<128xi32, #tpu.memory_space<hbm>>
      tpu.wait_dma2 semaphore(%run_scoped3A_149 : memref<!tpu.dma_semaphore, #tpu.memory_space<semaphore_mem>>) src(%dma_wait3A_165 : memref<128xi32, #tpu.memory_space<hbm>>) dst(%dma_wait3A_164 : memref<128xi32, #tpu.memory_space<vmem>>)
      tpu.yield
    }) : () -> ()
    %add3A_11 = arith.constant 384 : i32
    %add3A_12 = arith.addi %mul3A_2, %add3A_11 : i32
    %run_scoped3A_13 = arith.constant 3 : i32
    "tpu.region"() ({
      %run_scoped3A_149 = tpu.sem_alloc : memref<!tpu.dma_semaphore, #tpu.memory_space<semaphore_mem>>
      %dma_start3A_150 = arith.constant 0 : i32
      %dma_start3A_151 = tpu.memref_slice %arg5[%run_scoped3A_13, %dma_start3A_150] : memref<4x128xi32, #tpu.memory_space<vmem>> -> memref<1x128xi32, #tpu.memory_space<vmem>>
      %dma_start3A_152 = tpu.memref_squeeze %dma_start3A_151 : memref<1x128xi32, #tpu.memory_space<vmem>> -> memref<128xi32, #tpu.memory_space<vmem>>
      %dma_start3A_153 = tpu.memref_slice %arg2[%add3A_12] : memref<16384xi32, #tpu.memory_space<hbm>> -> memref<128xi32, #tpu.memory_space<hbm>>
      %dma_start3A_154 = arith.constant 0 : i32
      %dma_start3A_155 = tpu.memref_slice %arg5[%run_scoped3A_13, %dma_start3A_154] : memref<4x128xi32, #tpu.memory_space<vmem>> -> memref<1x128xi32, #tpu.memory_space<vmem>>
      %dma_start3A_156 = tpu.memref_squeeze %dma_start3A_155 : memref<1x128xi32, #tpu.memory_space<vmem>> -> memref<128xi32, #tpu.memory_space<vmem>>
      %dma_start3A_157 = tpu.memref_slice %arg2[%add3A_12] : memref<16384xi32, #tpu.memory_space<hbm>> -> memref<128xi32, #tpu.memory_space<hbm>>
      tpu.enqueue_dma source(%dma_start3A_157 : memref<128xi32, #tpu.memory_space<hbm>>) target(%dma_start3A_156 : memref<128xi32, #tpu.memory_space<vmem>>) target_semaphore(%run_scoped3A_149 : memref<!tpu.dma_semaphore, #tpu.memory_space<semaphore_mem>>)
      %dma_wait3A_158 = arith.constant 0 : i32
      %dma_wait3A_159 = tpu.memref_slice %arg5[%run_scoped3A_13, %dma_wait3A_158] : memref<4x128xi32, #tpu.memory_space<vmem>> -> memref<1x128xi32, #tpu.memory_space<vmem>>
      %dma_wait3A_160 = tpu.memref_squeeze %dma_wait3A_159 : memref<1x128xi32, #tpu.memory_space<vmem>> -> memref<128xi32, #tpu.memory_space<vmem>>
      %dma_wait3A_161 = tpu.memref_slice %arg2[%add3A_12] : memref<16384xi32, #tpu.memory_space<hbm>> -> memref<128xi32, #tpu.memory_space<hbm>>
      %dma_wait3A_162 = arith.constant 0 : i32
      %dma_wait3A_163 = tpu.memref_slice %arg5[%run_scoped3A_13, %dma_wait3A_162] : memref<4x128xi32, #tpu.memory_space<vmem>> -> memref<1x128xi32, #tpu.memory_space<vmem>>
      %dma_wait3A_164 = tpu.memref_squeeze %dma_wait3A_163 : memref<1x128xi32, #tpu.memory_space<vmem>> -> memref<128xi32, #tpu.memory_space<vmem>>
      %dma_wait3A_165 = tpu.memref_slice %arg2[%add3A_12] : memref<16384xi32, #tpu.memory_space<hbm>> -> memref<128xi32, #tpu.memory_space<hbm>>
      tpu.wait_dma2 semaphore(%run_scoped3A_149 : memref<!tpu.dma_semaphore, #tpu.memory_space<semaphore_mem>>) src(%dma_wait3A_165 : memref<128xi32, #tpu.memory_space<hbm>>) dst(%dma_wait3A_164 : memref<128xi32, #tpu.memory_space<vmem>>)
      tpu.yield
    }) : () -> ()
    %broadcast_in_dim3A = arith.constant 1.000000e+00 : f32
    %broadcast_in_dim3A_14 = vector.broadcast %broadcast_in_dim3A : f32 to vector<16xf32>
    %swap3A = arith.constant 0 : index
    %swap3A_15 = tpu.vector_load %arg6[%swap3A] {strides = array<i32>} : memref<128xf32, #tpu.memory_space<vmem>>, vector<16xf32>,
    %swap3A_16 = vector.shape_cast %swap3A_15 : vector<16xf32> to vector<16xf32>
    %swap3A_17 = vector.shape_cast %broadcast_in_dim3A_14 : vector<16xf32> to vector<16xf32>
    tpu.vector_store %arg6[%swap3A], %swap3A_17 {strides = array<i32>} : memref<128xf32, #tpu.memory_space<vmem>>, vector<16xf32>,
    %swap3A_18 = arith.constant 16 : index
    %swap3A_19 = tpu.vector_load %arg6[%swap3A_18] {strides = array<i32>} : memref<128xf32, #tpu.memory_space<vmem>>, vector<16xf32>,
    %swap3A_20 = vector.shape_cast %swap3A_19 : vector<16xf32> to vector<16xf32>
    %swap3A_21 = vector.shape_cast %broadcast_in_dim3A_14 : vector<16xf32> to vector<16xf32>
    tpu.vector_store %arg6[%swap3A_18], %swap3A_21 {strides = array<i32>} : memref<128xf32, #tpu.memory_space<vmem>>, vector<16xf32>,
    %swap3A_22 = arith.constant 32 : index
    %swap3A_23 = tpu.vector_load %arg6[%swap3A_22] {strides = array<i32>} : memref<128xf32, #tpu.memory_space<vmem>>, vector<16xf32>,
    %swap3A_24 = vector.shape_cast %swap3A_23 : vector<16xf32> to vector<16xf32>
    %swap3A_25 = vector.shape_cast %broadcast_in_dim3A_14 : vector<16xf32> to vector<16xf32>
    tpu.vector_store %arg6[%swap3A_22], %swap3A_25 {strides = array<i32>} : memref<128xf32, #tpu.memory_space<vmem>>, vector<16xf32>,
    %swap3A_26 = arith.constant 48 : index
    %swap3A_27 = tpu.vector_load %arg6[%swap3A_26] {strides = array<i32>} : memref<128xf32, #tpu.memory_space<vmem>>, vector<16xf32>,
    %swap3A_28 = vector.shape_cast %swap3A_27 : vector<16xf32> to vector<16xf32>
    %swap3A_29 = vector.shape_cast %broadcast_in_dim3A_14 : vector<16xf32> to vector<16xf32>
    tpu.vector_store %arg6[%swap3A_26], %swap3A_29 {strides = array<i32>} : memref<128xf32, #tpu.memory_space<vmem>>, vector<16xf32>,
    %swap3A_30 = arith.constant 64 : index
    %swap3A_31 = tpu.vector_load %arg6[%swap3A_30] {strides = array<i32>} : memref<128xf32, #tpu.memory_space<vmem>>, vector<16xf32>,
    %swap3A_32 = vector.shape_cast %swap3A_31 : vector<16xf32> to vector<16xf32>
    %swap3A_33 = vector.shape_cast %broadcast_in_dim3A_14 : vector<16xf32> to vector<16xf32>
    tpu.vector_store %arg6[%swap3A_30], %swap3A_33 {strides = array<i32>} : memref<128xf32, #tpu.memory_space<vmem>>, vector<16xf32>,
    %swap3A_34 = arith.constant 80 : index
    %swap3A_35 = tpu.vector_load %arg6[%swap3A_34] {strides = array<i32>} : memref<128xf32, #tpu.memory_space<vmem>>, vector<16xf32>,
    %swap3A_36 = vector.shape_cast %swap3A_35 : vector<16xf32> to vector<16xf32>
    %swap3A_37 = vector.shape_cast %broadcast_in_dim3A_14 : vector<16xf32> to vector<16xf32>
    tpu.vector_store %arg6[%swap3A_34], %swap3A_37 {strides = array<i32>} : memref<128xf32, #tpu.memory_space<vmem>>, vector<16xf32>,
    %swap3A_38 = arith.constant 96 : index
    %swap3A_39 = tpu.vector_load %arg6[%swap3A_38] {strides = array<i32>} : memref<128xf32, #tpu.memory_space<vmem>>, vector<16xf32>,
    %swap3A_40 = vector.shape_cast %swap3A_39 : vector<16xf32> to vector<16xf32>
    %swap3A_41 = vector.shape_cast %broadcast_in_dim3A_14 : vector<16xf32> to vector<16xf32>
    tpu.vector_store %arg6[%swap3A_38], %swap3A_41 {strides = array<i32>} : memref<128xf32, #tpu.memory_space<vmem>>, vector<16xf32>,
    %swap3A_42 = arith.constant 112 : index
    %swap3A_43 = tpu.vector_load %arg6[%swap3A_42] {strides = array<i32>} : memref<128xf32, #tpu.memory_space<vmem>>, vector<16xf32>,
    %swap3A_44 = vector.shape_cast %swap3A_43 : vector<16xf32> to vector<16xf32>
    %swap3A_45 = vector.shape_cast %broadcast_in_dim3A_14 : vector<16xf32> to vector<16xf32>
    tpu.vector_store %arg6[%swap3A_42], %swap3A_45 {strides = array<i32>} : memref<128xf32, #tpu.memory_space<vmem>>, vector<16xf32>,
    %broadcast_in_dim3A_46 = arith.constant 0.000000e+00 : f32
    %broadcast_in_dim3A_47 = vector.broadcast %broadcast_in_dim3A_46 : f32 to vector<16xf32>
    %scan3A = arith.constant 0 : i32
    %scan3A_48 = arith.constant 0 : i32
    %scan3A_49 = arith.constant 512 : i32
    %scan3A_50 = arith.addi %scan3A_48, %scan3A_49 : i32
    %scan3A_51 = arith.constant 1 : i32
    %scan3A_52 = scf.for %scan3A_149 = %scan3A_48 to %scan3A_50 step %scan3A_51 iter_args(%scan3A_150 = %scan3A) -> (i32)  : i32 {
      %mul3A_151 = arith.constant 16 : i32
      %mul3A_152 = arith.muli %scan3A_149, %mul3A_151 : i32
      %swap3A_153 = arith.index_cast %mul3A_152 : i32 to index
      %swap3A_154 = tpu.vector_load %arg7[%swap3A_153] {strides = array<i32>} : memref<8192xf32, #tpu.memory_space<vmem>>, vector<16xf32>,
      %swap3A_155 = vector.shape_cast %swap3A_154 : vector<16xf32> to vector<16xf32>
      %swap3A_156 = vector.shape_cast %broadcast_in_dim3A_47 : vector<16xf32> to vector<16xf32>
      tpu.vector_store %arg7[%swap3A_153], %swap3A_156 {strides = array<i32>} : memref<8192xf32, #tpu.memory_space<vmem>>, vector<16xf32>,
      %scan3A_157 = arith.constant 0 : i32
      scf.yield %scan3A_157 : i32
    }
    %scan3A_53 = arith.constant 512 : i32
    %mul3A_54 = arith.constant 8 : i32
    %mul3A_55 = arith.muli %arg1, %mul3A_54 : i32
    %add3A_56 = arith.constant 0 : i32
    %add3A_57 = arith.addi %mul3A_55, %add3A_56 : i32
    %mul3A_58 = arith.constant 8192 : i32
    %mul3A_59 = arith.muli %add3A_57, %mul3A_58 : i32
    %dma_start3A = tpu.memref_slice %arg8[%mul3A_59] : memref<1048576xf32, #tpu.memory_space<vmem_shared>> -> memref<8192xf32, #tpu.memory_space<vmem_shared>>
    %dma_start3A_60 = tpu.memref_slice %arg8[%mul3A_59] : memref<1048576xf32, #tpu.memory_space<vmem_shared>> -> memref<8192xf32, #tpu.memory_space<vmem_shared>>
    tpu.enqueue_dma source(%arg7 : memref<8192xf32, #tpu.memory_space<vmem>>) target(%dma_start3A_60 : memref<8192xf32, #tpu.memory_space<vmem_shared>>) target_semaphore(%arg9 : memref<!tpu.dma_semaphore, #tpu.memory_space<semaphore_mem>>)
    %mul3A_61 = arith.constant 8 : i32
    %mul3A_62 = arith.muli %arg1, %mul3A_61 : i32
    %add3A_63 = arith.constant 1 : i32
    %add3A_64 = arith.addi %mul3A_62, %add3A_63 : i32
    %mul3A_65 = arith.constant 8192 : i32
    %mul3A_66 = arith.muli %add3A_64, %mul3A_65 : i32
    %dma_start3A_67 = tpu.memref_slice %arg8[%mul3A_66] : memref<1048576xf32, #tpu.memory_space<vmem_shared>> -> memref<8192xf32, #tpu.memory_space<vmem_shared>>
    %dma_start3A_68 = tpu.memref_slice %arg8[%mul3A_66] : memref<1048576xf32, #tpu.memory_space<vmem_shared>> -> memref<8192xf32, #tpu.memory_space<vmem_shared>>
    tpu.enqueue_dma source(%arg7 : memref<8192xf32, #tpu.memory_space<vmem>>) target(%dma_start3A_68 : memref<8192xf32, #tpu.memory_space<vmem_shared>>) target_semaphore(%arg9 : memref<!tpu.dma_semaphore, #tpu.memory_space<semaphore_mem>>)
    %mul3A_69 = arith.constant 8 : i32
    %mul3A_70 = arith.muli %arg1, %mul3A_69 : i32
    %add3A_71 = arith.constant 2 : i32
    %add3A_72 = arith.addi %mul3A_70, %add3A_71 : i32
    %mul3A_73 = arith.constant 8192 : i32
    %mul3A_74 = arith.muli %add3A_72, %mul3A_73 : i32
    %dma_start3A_75 = tpu.memref_slice %arg8[%mul3A_74] : memref<1048576xf32, #tpu.memory_space<vmem_shared>> -> memref<8192xf32, #tpu.memory_space<vmem_shared>>
    %dma_start3A_76 = tpu.memref_slice %arg8[%mul3A_74] : memref<1048576xf32, #tpu.memory_space<vmem_shared>> -> memref<8192xf32, #tpu.memory_space<vmem_shared>>
    tpu.enqueue_dma source(%arg7 : memref<8192xf32, #tpu.memory_space<vmem>>) target(%dma_start3A_76 : memref<8192xf32, #tpu.memory_space<vmem_shared>>) target_semaphore(%arg9 : memref<!tpu.dma_semaphore, #tpu.memory_space<semaphore_mem>>)
    %mul3A_77 = arith.constant 8 : i32
    %mul3A_78 = arith.muli %arg1, %mul3A_77 : i32
    %add3A_79 = arith.constant 3 : i32
    %add3A_80 = arith.addi %mul3A_78, %add3A_79 : i32
    %mul3A_81 = arith.constant 8192 : i32
    %mul3A_82 = arith.muli %add3A_80, %mul3A_81 : i32
    %dma_start3A_83 = tpu.memref_slice %arg8[%mul3A_82] : memref<1048576xf32, #tpu.memory_space<vmem_shared>> -> memref<8192xf32, #tpu.memory_space<vmem_shared>>
    %dma_start3A_84 = tpu.memref_slice %arg8[%mul3A_82] : memref<1048576xf32, #tpu.memory_space<vmem_shared>> -> memref<8192xf32, #tpu.memory_space<vmem_shared>>
    tpu.enqueue_dma source(%arg7 : memref<8192xf32, #tpu.memory_space<vmem>>) target(%dma_start3A_84 : memref<8192xf32, #tpu.memory_space<vmem_shared>>) target_semaphore(%arg9 : memref<!tpu.dma_semaphore, #tpu.memory_space<semaphore_mem>>)
    %mul3A_85 = arith.constant 8 : i32
    %mul3A_86 = arith.muli %arg1, %mul3A_85 : i32
    %add3A_87 = arith.constant 4 : i32
    %add3A_88 = arith.addi %mul3A_86, %add3A_87 : i32
    %mul3A_89 = arith.constant 8192 : i32
    %mul3A_90 = arith.muli %add3A_88, %mul3A_89 : i32
    %dma_start3A_91 = tpu.memref_slice %arg8[%mul3A_90] : memref<1048576xf32, #tpu.memory_space<vmem_shared>> -> memref<8192xf32, #tpu.memory_space<vmem_shared>>
    %dma_start3A_92 = tpu.memref_slice %arg8[%mul3A_90] : memref<1048576xf32, #tpu.memory_space<vmem_shared>> -> memref<8192xf32, #tpu.memory_space<vmem_shared>>
    tpu.enqueue_dma source(%arg7 : memref<8192xf32, #tpu.memory_space<vmem>>) target(%dma_start3A_92 : memref<8192xf32, #tpu.memory_space<vmem_shared>>) target_semaphore(%arg9 : memref<!tpu.dma_semaphore, #tpu.memory_space<semaphore_mem>>)
    %mul3A_93 = arith.constant 8 : i32
    %mul3A_94 = arith.muli %arg1, %mul3A_93 : i32
    %add3A_95 = arith.constant 5 : i32
    %add3A_96 = arith.addi %mul3A_94, %add3A_95 : i32
    %mul3A_97 = arith.constant 8192 : i32
    %mul3A_98 = arith.muli %add3A_96, %mul3A_97 : i32
    %dma_start3A_99 = tpu.memref_slice %arg8[%mul3A_98] : memref<1048576xf32, #tpu.memory_space<vmem_shared>> -> memref<8192xf32, #tpu.memory_space<vmem_shared>>
    %dma_start3A_100 = tpu.memref_slice %arg8[%mul3A_98] : memref<1048576xf32, #tpu.memory_space<vmem_shared>> -> memref<8192xf32, #tpu.memory_space<vmem_shared>>
    tpu.enqueue_dma source(%arg7 : memref<8192xf32, #tpu.memory_space<vmem>>) target(%dma_start3A_100 : memref<8192xf32, #tpu.memory_space<vmem_shared>>) target_semaphore(%arg9 : memref<!tpu.dma_semaphore, #tpu.memory_space<semaphore_mem>>)
    %mul3A_101 = arith.constant 8 : i32
    %mul3A_102 = arith.muli %arg1, %mul3A_101 : i32
    %add3A_103 = arith.constant 6 : i32
    %add3A_104 = arith.addi %mul3A_102, %add3A_103 : i32
    %mul3A_105 = arith.constant 8192 : i32
    %mul3A_106 = arith.muli %add3A_104, %mul3A_105 : i32
    %dma_start3A_107 = tpu.memref_slice %arg8[%mul3A_106] : memref<1048576xf32, #tpu.memory_space<vmem_shared>> -> memref<8192xf32, #tpu.memory_space<vmem_shared>>
    %dma_start3A_108 = tpu.memref_slice %arg8[%mul3A_106] : memref<1048576xf32, #tpu.memory_space<vmem_shared>> -> memref<8192xf32, #tpu.memory_space<vmem_shared>>
    tpu.enqueue_dma source(%arg7 : memref<8192xf32, #tpu.memory_space<vmem>>) target(%dma_start3A_108 : memref<8192xf32, #tpu.memory_space<vmem_shared>>) target_semaphore(%arg9 : memref<!tpu.dma_semaphore, #tpu.memory_space<semaphore_mem>>)
    %mul3A_109 = arith.constant 8 : i32
    %mul3A_110 = arith.muli %arg1, %mul3A_109 : i32
    %add3A_111 = arith.constant 7 : i32
    %add3A_112 = arith.addi %mul3A_110, %add3A_111 : i32
    %mul3A_113 = arith.constant 8192 : i32
    %mul3A_114 = arith.muli %add3A_112, %mul3A_113 : i32
    %dma_start3A_115 = tpu.memref_slice %arg8[%mul3A_114] : memref<1048576xf32, #tpu.memory_space<vmem_shared>> -> memref<8192xf32, #tpu.memory_space<vmem_shared>>
    %dma_start3A_116 = tpu.memref_slice %arg8[%mul3A_114] : memref<1048576xf32, #tpu.memory_space<vmem_shared>> -> memref<8192xf32, #tpu.memory_space<vmem_shared>>
    tpu.enqueue_dma source(%arg7 : memref<8192xf32, #tpu.memory_space<vmem>>) target(%dma_start3A_116 : memref<8192xf32, #tpu.memory_space<vmem_shared>>) target_semaphore(%arg9 : memref<!tpu.dma_semaphore, #tpu.memory_space<semaphore_mem>>)
    %dma_wait3A = tpu.memref_slice %arg8[%mul3A_59] : memref<1048576xf32, #tpu.memory_space<vmem_shared>> -> memref<8192xf32, #tpu.memory_space<vmem_shared>>
    %dma_wait3A_117 = tpu.memref_slice %arg8[%mul3A_59] : memref<1048576xf32, #tpu.memory_space<vmem_shared>> -> memref<8192xf32, #tpu.memory_space<vmem_shared>>
    tpu.wait_dma2 semaphore(%arg9 : memref<!tpu.dma_semaphore, #tpu.memory_space<semaphore_mem>>) src(%arg7 : memref<8192xf32, #tpu.memory_space<vmem>>) dst(%dma_wait3A_117 : memref<8192xf32, #tpu.memory_space<vmem_shared>>)
    %dma_wait3A_118 = tpu.memref_slice %arg8[%mul3A_66] : memref<1048576xf32, #tpu.memory_space<vmem_shared>> -> memref<8192xf32, #tpu.memory_space<vmem_shared>>
    %dma_wait3A_119 = tpu.memref_slice %arg8[%mul3A_66] : memref<1048576xf32, #tpu.memory_space<vmem_shared>> -> memref<8192xf32, #tpu.memory_space<vmem_shared>>
    tpu.wait_dma2 semaphore(%arg9 : memref<!tpu.dma_semaphore, #tpu.memory_space<semaphore_mem>>) src(%arg7 : memref<8192xf32, #tpu.memory_space<vmem>>) dst(%dma_wait3A_119 : memref<8192xf32, #tpu.memory_space<vmem_shared>>)
    %dma_wait3A_120 = tpu.memref_slice %arg8[%mul3A_74] : memref<1048576xf32, #tpu.memory_space<vmem_shared>> -> memref<8192xf32, #tpu.memory_space<vmem_shared>>
    %dma_wait3A_121 = tpu.memref_slice %arg8[%mul3A_74] : memref<1048576xf32, #tpu.memory_space<vmem_shared>> -> memref<8192xf32, #tpu.memory_space<vmem_shared>>
    tpu.wait_dma2 semaphore(%arg9 : memref<!tpu.dma_semaphore, #tpu.memory_space<semaphore_mem>>) src(%arg7 : memref<8192xf32, #tpu.memory_space<vmem>>) dst(%dma_wait3A_121 : memref<8192xf32, #tpu.memory_space<vmem_shared>>)
    %dma_wait3A_122 = tpu.memref_slice %arg8[%mul3A_82] : memref<1048576xf32, #tpu.memory_space<vmem_shared>> -> memref<8192xf32, #tpu.memory_space<vmem_shared>>
    %dma_wait3A_123 = tpu.memref_slice %arg8[%mul3A_82] : memref<1048576xf32, #tpu.memory_space<vmem_shared>> -> memref<8192xf32, #tpu.memory_space<vmem_shared>>
    tpu.wait_dma2 semaphore(%arg9 : memref<!tpu.dma_semaphore, #tpu.memory_space<semaphore_mem>>) src(%arg7 : memref<8192xf32, #tpu.memory_space<vmem>>) dst(%dma_wait3A_123 : memref<8192xf32, #tpu.memory_space<vmem_shared>>)
    %dma_wait3A_124 = tpu.memref_slice %arg8[%mul3A_90] : memref<1048576xf32, #tpu.memory_space<vmem_shared>> -> memref<8192xf32, #tpu.memory_space<vmem_shared>>
    %dma_wait3A_125 = tpu.memref_slice %arg8[%mul3A_90] : memref<1048576xf32, #tpu.memory_space<vmem_shared>> -> memref<8192xf32, #tpu.memory_space<vmem_shared>>
    tpu.wait_dma2 semaphore(%arg9 : memref<!tpu.dma_semaphore, #tpu.memory_space<semaphore_mem>>) src(%arg7 : memref<8192xf32, #tpu.memory_space<vmem>>) dst(%dma_wait3A_125 : memref<8192xf32, #tpu.memory_space<vmem_shared>>)
    %dma_wait3A_126 = tpu.memref_slice %arg8[%mul3A_98] : memref<1048576xf32, #tpu.memory_space<vmem_shared>> -> memref<8192xf32, #tpu.memory_space<vmem_shared>>
    %dma_wait3A_127 = tpu.memref_slice %arg8[%mul3A_98] : memref<1048576xf32, #tpu.memory_space<vmem_shared>> -> memref<8192xf32, #tpu.memory_space<vmem_shared>>
    tpu.wait_dma2 semaphore(%arg9 : memref<!tpu.dma_semaphore, #tpu.memory_space<semaphore_mem>>) src(%arg7 : memref<8192xf32, #tpu.memory_space<vmem>>) dst(%dma_wait3A_127 : memref<8192xf32, #tpu.memory_space<vmem_shared>>)
    %dma_wait3A_128 = tpu.memref_slice %arg8[%mul3A_106] : memref<1048576xf32, #tpu.memory_space<vmem_shared>> -> memref<8192xf32, #tpu.memory_space<vmem_shared>>
    %dma_wait3A_129 = tpu.memref_slice %arg8[%mul3A_106] : memref<1048576xf32, #tpu.memory_space<vmem_shared>> -> memref<8192xf32, #tpu.memory_space<vmem_shared>>
    tpu.wait_dma2 semaphore(%arg9 : memref<!tpu.dma_semaphore, #tpu.memory_space<semaphore_mem>>) src(%arg7 : memref<8192xf32, #tpu.memory_space<vmem>>) dst(%dma_wait3A_129 : memref<8192xf32, #tpu.memory_space<vmem_shared>>)
    %dma_wait3A_130 = tpu.memref_slice %arg8[%mul3A_114] : memref<1048576xf32, #tpu.memory_space<vmem_shared>> -> memref<8192xf32, #tpu.memory_space<vmem_shared>>
    %dma_wait3A_131 = tpu.memref_slice %arg8[%mul3A_114] : memref<1048576xf32, #tpu.memory_space<vmem_shared>> -> memref<8192xf32, #tpu.memory_space<vmem_shared>>
    tpu.wait_dma2 semaphore(%arg9 : memref<!tpu.dma_semaphore, #tpu.memory_space<semaphore_mem>>) src(%arg7 : memref<8192xf32, #tpu.memory_space<vmem>>) dst(%dma_wait3A_131 : memref<8192xf32, #tpu.memory_space<vmem_shared>>)
    %barrier3A = arith.constant 0 : index
    tpu.barrier barrier_id(%barrier3A)
    %run_scoped3A_132 = arith.constant 0 : i32
    "tpu.region"() ({
      %run_scoped3A_149 = tpu.sem_alloc : memref<!tpu.dma_semaphore, #tpu.memory_space<semaphore_mem>>
      %dma_start3A_150 = arith.constant 0 : i32
      %dma_start3A_151 = tpu.memref_slice %arg5[%run_scoped3A_132, %dma_start3A_150] : memref<4x128xi32, #tpu.memory_space<vmem>> -> memref<1x128xi32, #tpu.memory_space<vmem>>
      %dma_start3A_152 = tpu.memref_squeeze %dma_start3A_151 : memref<1x128xi32, #tpu.memory_space<vmem>> -> memref<128xi32, #tpu.memory_space<vmem>>
      %dma_start3A_153 = arith.constant 0 : i32
      %dma_start3A_154 = tpu.memref_slice %arg8[%dma_start3A_153] : memref<1048576xf32, #tpu.memory_space<vmem_shared>> -> memref<1048576xf32, #tpu.memory_space<vmem_shared>>
      tpu.enqueue_indirect_dma source(%arg6 : memref<128xf32, #tpu.memory_space<vmem>>) target(%dma_start3A_154 : memref<1048576xf32, #tpu.memory_space<vmem_shared>>) offsets(%dma_start3A_152 : memref<128xi32, #tpu.memory_space<vmem>>) semaphore(%run_scoped3A_149 : memref<!tpu.dma_semaphore, #tpu.memory_space<semaphore_mem>>) {add = true}
      %dma_wait3A_155 = arith.constant 0 : i32
      %dma_wait3A_156 = tpu.memref_slice %arg5[%run_scoped3A_132, %dma_wait3A_155] : memref<4x128xi32, #tpu.memory_space<vmem>> -> memref<1x128xi32, #tpu.memory_space<vmem>>
      %dma_wait3A_157 = tpu.memref_squeeze %dma_wait3A_156 : memref<1x128xi32, #tpu.memory_space<vmem>> -> memref<128xi32, #tpu.memory_space<vmem>>
      %dma_wait3A_158 = arith.constant 0 : i32
      %dma_wait3A_159 = tpu.memref_slice %arg8[%dma_wait3A_158] : memref<1048576xf32, #tpu.memory_space<vmem_shared>> -> memref<1048576xf32, #tpu.memory_space<vmem_shared>>
      tpu.wait_indirect_dma semaphore(%run_scoped3A_149 : memref<!tpu.dma_semaphore, #tpu.memory_space<semaphore_mem>>) src(%arg6 : memref<128xf32, #tpu.memory_space<vmem>>) dst(%dma_wait3A_159 : memref<1048576xf32, #tpu.memory_space<vmem_shared>>)
      tpu.yield
    }) : () -> ()
    %run_scoped3A_133 = arith.constant 1 : i32
    "tpu.region"() ({
      %run_scoped3A_149 = tpu.sem_alloc : memref<!tpu.dma_semaphore, #tpu.memory_space<semaphore_mem>>
      %dma_start3A_150 = arith.constant 0 : i32
      %dma_start3A_151 = tpu.memref_slice %arg5[%run_scoped3A_133, %dma_start3A_150] : memref<4x128xi32, #tpu.memory_space<vmem>> -> memref<1x128xi32, #tpu.memory_space<vmem>>
      %dma_start3A_152 = tpu.memref_squeeze %dma_start3A_151 : memref<1x128xi32, #tpu.memory_space<vmem>> -> memref<128xi32, #tpu.memory_space<vmem>>
      %dma_start3A_153 = arith.constant 0 : i32
      %dma_start3A_154 = tpu.memref_slice %arg8[%dma_start3A_153] : memref<1048576xf32, #tpu.memory_space<vmem_shared>> -> memref<1048576xf32, #tpu.memory_space<vmem_shared>>
      tpu.enqueue_indirect_dma source(%arg6 : memref<128xf32, #tpu.memory_space<vmem>>) target(%dma_start3A_154 : memref<1048576xf32, #tpu.memory_space<vmem_shared>>) offsets(%dma_start3A_152 : memref<128xi32, #tpu.memory_space<vmem>>) semaphore(%run_scoped3A_149 : memref<!tpu.dma_semaphore, #tpu.memory_space<semaphore_mem>>) {add = true}
      %dma_wait3A_155 = arith.constant 0 : i32
      %dma_wait3A_156 = tpu.memref_slice %arg5[%run_scoped3A_133, %dma_wait3A_155] : memref<4x128xi32, #tpu.memory_space<vmem>> -> memref<1x128xi32, #tpu.memory_space<vmem>>
      %dma_wait3A_157 = tpu.memref_squeeze %dma_wait3A_156 : memref<1x128xi32, #tpu.memory_space<vmem>> -> memref<128xi32, #tpu.memory_space<vmem>>
      %dma_wait3A_158 = arith.constant 0 : i32
      %dma_wait3A_159 = tpu.memref_slice %arg8[%dma_wait3A_158] : memref<1048576xf32, #tpu.memory_space<vmem_shared>> -> memref<1048576xf32, #tpu.memory_space<vmem_shared>>
      tpu.wait_indirect_dma semaphore(%run_scoped3A_149 : memref<!tpu.dma_semaphore, #tpu.memory_space<semaphore_mem>>) src(%arg6 : memref<128xf32, #tpu.memory_space<vmem>>) dst(%dma_wait3A_159 : memref<1048576xf32, #tpu.memory_space<vmem_shared>>)
      tpu.yield
    }) : () -> ()
    %run_scoped3A_134 = arith.constant 2 : i32
    "tpu.region"() ({
      %run_scoped3A_149 = tpu.sem_alloc : memref<!tpu.dma_semaphore, #tpu.memory_space<semaphore_mem>>
      %dma_start3A_150 = arith.constant 0 : i32
      %dma_start3A_151 = tpu.memref_slice %arg5[%run_scoped3A_134, %dma_start3A_150] : memref<4x128xi32, #tpu.memory_space<vmem>> -> memref<1x128xi32, #tpu.memory_space<vmem>>
      %dma_start3A_152 = tpu.memref_squeeze %dma_start3A_151 : memref<1x128xi32, #tpu.memory_space<vmem>> -> memref<128xi32, #tpu.memory_space<vmem>>
      %dma_start3A_153 = arith.constant 0 : i32
      %dma_start3A_154 = tpu.memref_slice %arg8[%dma_start3A_153] : memref<1048576xf32, #tpu.memory_space<vmem_shared>> -> memref<1048576xf32, #tpu.memory_space<vmem_shared>>
      tpu.enqueue_indirect_dma source(%arg6 : memref<128xf32, #tpu.memory_space<vmem>>) target(%dma_start3A_154 : memref<1048576xf32, #tpu.memory_space<vmem_shared>>) offsets(%dma_start3A_152 : memref<128xi32, #tpu.memory_space<vmem>>) semaphore(%run_scoped3A_149 : memref<!tpu.dma_semaphore, #tpu.memory_space<semaphore_mem>>) {add = true}
      %dma_wait3A_155 = arith.constant 0 : i32
      %dma_wait3A_156 = tpu.memref_slice %arg5[%run_scoped3A_134, %dma_wait3A_155] : memref<4x128xi32, #tpu.memory_space<vmem>> -> memref<1x128xi32, #tpu.memory_space<vmem>>
      %dma_wait3A_157 = tpu.memref_squeeze %dma_wait3A_156 : memref<1x128xi32, #tpu.memory_space<vmem>> -> memref<128xi32, #tpu.memory_space<vmem>>
      %dma_wait3A_158 = arith.constant 0 : i32
      %dma_wait3A_159 = tpu.memref_slice %arg8[%dma_wait3A_158] : memref<1048576xf32, #tpu.memory_space<vmem_shared>> -> memref<1048576xf32, #tpu.memory_space<vmem_shared>>
      tpu.wait_indirect_dma semaphore(%run_scoped3A_149 : memref<!tpu.dma_semaphore, #tpu.memory_space<semaphore_mem>>) src(%arg6 : memref<128xf32, #tpu.memory_space<vmem>>) dst(%dma_wait3A_159 : memref<1048576xf32, #tpu.memory_space<vmem_shared>>)
      tpu.yield
    }) : () -> ()
    %run_scoped3A_135 = arith.constant 3 : i32
    "tpu.region"() ({
      %run_scoped3A_149 = tpu.sem_alloc : memref<!tpu.dma_semaphore, #tpu.memory_space<semaphore_mem>>
      %dma_start3A_150 = arith.constant 0 : i32
      %dma_start3A_151 = tpu.memref_slice %arg5[%run_scoped3A_135, %dma_start3A_150] : memref<4x128xi32, #tpu.memory_space<vmem>> -> memref<1x128xi32, #tpu.memory_space<vmem>>
      %dma_start3A_152 = tpu.memref_squeeze %dma_start3A_151 : memref<1x128xi32, #tpu.memory_space<vmem>> -> memref<128xi32, #tpu.memory_space<vmem>>
      %dma_start3A_153 = arith.constant 0 : i32
      %dma_start3A_154 = tpu.memref_slice %arg8[%dma_start3A_153] : memref<1048576xf32, #tpu.memory_space<vmem_shared>> -> memref<1048576xf32, #tpu.memory_space<vmem_shared>>
      tpu.enqueue_indirect_dma source(%arg6 : memref<128xf32, #tpu.memory_space<vmem>>) target(%dma_start3A_154 : memref<1048576xf32, #tpu.memory_space<vmem_shared>>) offsets(%dma_start3A_152 : memref<128xi32, #tpu.memory_space<vmem>>) semaphore(%run_scoped3A_149 : memref<!tpu.dma_semaphore, #tpu.memory_space<semaphore_mem>>) {add = true}
      %dma_wait3A_155 = arith.constant 0 : i32
      %dma_wait3A_156 = tpu.memref_slice %arg5[%run_scoped3A_135, %dma_wait3A_155] : memref<4x128xi32, #tpu.memory_space<vmem>> -> memref<1x128xi32, #tpu.memory_space<vmem>>
      %dma_wait3A_157 = tpu.memref_squeeze %dma_wait3A_156 : memref<1x128xi32, #tpu.memory_space<vmem>> -> memref<128xi32, #tpu.memory_space<vmem>>
      %dma_wait3A_158 = arith.constant 0 : i32
      %dma_wait3A_159 = tpu.memref_slice %arg8[%dma_wait3A_158] : memref<1048576xf32, #tpu.memory_space<vmem_shared>> -> memref<1048576xf32, #tpu.memory_space<vmem_shared>>
      tpu.wait_indirect_dma semaphore(%run_scoped3A_149 : memref<!tpu.dma_semaphore, #tpu.memory_space<semaphore_mem>>) src(%arg6 : memref<128xf32, #tpu.memory_space<vmem>>) dst(%dma_wait3A_159 : memref<1048576xf32, #tpu.memory_space<vmem_shared>>)
      tpu.yield
    }) : () -> ()
    %barrier3A_136 = arith.constant 0 : index
    tpu.barrier barrier_id(%barrier3A_136)
    %eq3A = arith.constant 0 : i32
    %eq3A_137 = arith.cmpi eq, %arg1, %eq3A : i32
    %eq3A_138 = arith.constant 0 : i32
    %eq3A_139 = arith.cmpi eq, %arg0, %eq3A_138 : i32
    %and3A = arith.andi %eq3A_137, %eq3A_139 : i1
    %convert_element_type3A = arith.extui %and3A : i1 to i32
    %cond3A = arith.constant 0 : i32
    %cond3A_140 = arith.cmpi ne, %convert_element_type3A, %cond3A : i32
    scf.if %cond3A_140 {
      "tpu.region"() ({
        %run_scoped3A_149 = tpu.sem_alloc : memref<!tpu.dma_semaphore, #tpu.memory_space<semaphore_mem>>
        tpu.enqueue_dma source(%arg8 : memref<1048576xf32, #tpu.memory_space<vmem_shared>>) target(%arg3 : memref<1048576xf32, #tpu.memory_space<hbm>>) target_semaphore(%run_scoped3A_149 : memref<!tpu.dma_semaphore, #tpu.memory_space<semaphore_mem>>)
        tpu.wait_dma2 semaphore(%run_scoped3A_149 : memref<!tpu.dma_semaphore, #tpu.memory_space<semaphore_mem>>) src(%arg8 : memref<1048576xf32, #tpu.memory_space<vmem_shared>>) dst(%arg3 : memref<1048576xf32, #tpu.memory_space<hbm>>)
        tpu.yield
      }) : () -> ()
    } else {
    }
    %eq3A_141 = arith.constant 0 : i32
    %eq3A_142 = arith.cmpi eq, %arg1, %eq3A_141 : i32
    %eq3A_143 = arith.constant 1 : i32
    %eq3A_144 = arith.cmpi eq, %arg0, %eq3A_143 : i32
    %and3A_145 = arith.andi %eq3A_142, %eq3A_144 : i1
    %convert_element_type3A_146 = arith.extui %and3A_145 : i1 to i32
    %cond3A_147 = arith.constant 0 : i32
    %cond3A_148 = arith.cmpi ne, %convert_element_type3A_146, %cond3A_147 : i32
    scf.if %cond3A_148 {
      "tpu.region"() ({
        %run_scoped3A_149 = tpu.sem_alloc : memref<!tpu.dma_semaphore, #tpu.memory_space<semaphore_mem>>
        tpu.enqueue_dma source(%arg8 : memref<1048576xf32, #tpu.memory_space<vmem_shared>>) target(%arg4 : memref<1048576xf32, #tpu.memory_space<hbm>>) target_semaphore(%run_scoped3A_149 : memref<!tpu.dma_semaphore, #tpu.memory_space<semaphore_mem>>)
        tpu.wait_dma2 semaphore(%run_scoped3A_149 : memref<!tpu.dma_semaphore, #tpu.memory_space<semaphore_mem>>) src(%arg8 : memref<1048576xf32, #tpu.memory_space<vmem_shared>>) dst(%arg4 : memref<1048576xf32, #tpu.memory_space<hbm>>)
        tpu.yield
      }) : () -> ()
    } else {
    }
    return
  }
}

module attributes {stable_mosaic.version = 14 : i64} {
  func.func @_scan_body(%arg0: i32, %arg1: memref<64x49152xf32, #tpu.memory_space<vmem>>, %arg2: memref<1x49152xf32, #tpu.memory_space<vmem>>, %arg3: memref<1x49152xf32, #tpu.memory_space<vmem>>, %arg4: memref<64x64xf32, #tpu.memory_space<vmem>>, %arg5: memref<1x64xf32, #tpu.memory_space<vmem>>, %arg6: memref<1x64xf32, #tpu.memory_space<vmem>>) attributes {dimension_semantics = [#tpu.dimension_semantics<arbitrary>], iteration_bounds = array<i64: 21>, scalar_prefetch = 0 : i64, scratch_operands = 1 : i64, tpu.core_type = #tpu.core_type<tc>, window_params = [{transform_indices = @transform_0, window_bounds = array<i64: 64, 49152>}, {transform_indices = @transform_1, window_bounds = array<i64: 1, 49152>}, {transform_indices = @transform_2, window_bounds = array<i64: 1, 49152>}, {pipeline_mode = #tpu.pipeline_mode<synchronous>, transform_indices = @transform_3, window_bounds = array<i64: 64, 64>}, {pipeline_mode = #tpu.pipeline_mode<synchronous>, transform_indices = @transform_4, window_bounds = array<i64: 1, 64>}]} {
    %eq3A = arith.constant 0 : i32
    %eq3A_0 = arith.cmpi eq, %arg0, %eq3A : i32
    %convert_element_type3A = arith.extui %eq3A_0 : i1 to i32
    %cond3A = arith.constant 0 : i32
    %cond3A_1 = arith.cmpi ne, %convert_element_type3A, %cond3A : i32
    scf.if %cond3A_1 {
      %broadcast_in_dim3A = arith.constant 0.000000e+00 : f32
      %broadcast_in_dim3A_22 = vector.broadcast %broadcast_in_dim3A : f32 to vector<1x64xf32>
      %swap3A_23 = arith.constant 0 : index
      %swap3A_24 = arith.constant 0 : index
      %swap3A_25 = vector.load %arg6[%swap3A_23, %swap3A_24] : memref<1x64xf32, #tpu.memory_space<vmem>>, vector<1x64xf32>
      tpu.vector_store %arg6[%swap3A_23, %swap3A_24], %broadcast_in_dim3A_22 {strides = array<i32>} : memref<1x64xf32, #tpu.memory_space<vmem>>, vector<1x64xf32>,
    } else {
    }
    %get3A = arith.constant 0 : index
    %get3A_2 = arith.constant 0 : index
    %get3A_3 = vector.load %arg2[%get3A, %get3A_2] : memref<1x49152xf32, #tpu.memory_space<vmem>>, vector<1x49152xf32>
    %get3A_4 = arith.constant 0 : index
    %get3A_5 = arith.constant 0 : index
    %get3A_6 = vector.load %arg3[%get3A_4, %get3A_5] : memref<1x49152xf32, #tpu.memory_space<vmem>>, vector<1x49152xf32>
    %add3A = arith.addf %get3A_3, %get3A_6 : vector<1x49152xf32>
    %get3A_7 = arith.constant 0 : index
    %get3A_8 = arith.constant 0 : index
    %get3A_9 = vector.load %arg1[%get3A_7, %get3A_8] : memref<64x49152xf32, #tpu.memory_space<vmem>>, vector<64x49152xf32>
    %dot_general3A = arith.constant dense<0.000000e+00> : vector<1x64xf32>
    %dot_general3A_10 = tpu.matmul %add3A, %get3A_9, %dot_general3A {dimension_numbers = #tpu.dot_dimension_numbers<[1], [1], [0], [0], [0, 0, 1, 0], [], []>, transpose_lhs_hint = false} : vector<1x49152xf32>, vector<64x49152xf32>, vector<1x64xf32> -> vector<1x64xf32>
    %get3A_11 = arith.constant 0 : index
    %get3A_12 = arith.constant 0 : index
    %get3A_13 = vector.load %arg6[%get3A_11, %get3A_12] : memref<1x64xf32, #tpu.memory_space<vmem>>, vector<1x64xf32>
    %add3A_14 = arith.addf %get3A_13, %dot_general3A_10 : vector<1x64xf32>
    %swap3A = arith.constant 0 : index
    %swap3A_15 = arith.constant 0 : index
    %swap3A_16 = vector.load %arg6[%swap3A, %swap3A_15] : memref<1x64xf32, #tpu.memory_space<vmem>>, vector<1x64xf32>
    tpu.vector_store %arg6[%swap3A, %swap3A_15], %add3A_14 {strides = array<i32>} : memref<1x64xf32, #tpu.memory_space<vmem>>, vector<1x64xf32>,
    %eq3A_17 = arith.constant 20 : i32
    %eq3A_18 = arith.cmpi eq, %arg0, %eq3A_17 : i32
    %convert_element_type3A_19 = arith.extui %eq3A_18 : i1 to i32
    %cond3A_20 = arith.constant 0 : i32
    %cond3A_21 = arith.cmpi ne, %convert_element_type3A_19, %cond3A_20 : i32
    scf.if %cond3A_21 {
      %get3A_22 = arith.constant 0 : index
      %get3A_23 = arith.constant 0 : index
      %get3A_24 = vector.load %arg6[%get3A_22, %get3A_23] : memref<1x64xf32, #tpu.memory_space<vmem>>, vector<1x64xf32>
      %mul3A = arith.constant 6.10351563E-5 : f32
      %mul3A_25 = vector.broadcast %mul3A : f32 to vector<1x64xf32>
      %mul3A_26 = arith.mulf %get3A_24, %mul3A_25 : vector<1x64xf32>
      %get3A_27 = arith.constant 0 : index
      %get3A_28 = arith.constant 0 : index
      %get3A_29 = vector.load %arg4[%get3A_27, %get3A_28] : memref<64x64xf32, #tpu.memory_space<vmem>>, vector<64x64xf32>
      %dot_general3A_30 = arith.constant dense<0.000000e+00> : vector<1x64xf32>
      %dot_general3A_31 = tpu.matmul %mul3A_26, %get3A_29, %dot_general3A_30 {dimension_numbers = #tpu.dot_dimension_numbers<[1], [1], [0], [0], [0, 0, 1, 0], [], []>, transpose_lhs_hint = false} : vector<1x64xf32>, vector<64x64xf32>, vector<1x64xf32> -> vector<1x64xf32>
      %swap3A_32 = arith.constant 0 : index
      %swap3A_33 = arith.constant 0 : index
      %swap3A_34 = vector.load %arg5[%swap3A_32, %swap3A_33] : memref<1x64xf32, #tpu.memory_space<vmem>>, vector<1x64xf32>
      tpu.vector_store %arg5[%swap3A_32, %swap3A_33], %dot_general3A_31 {strides = array<i32>} : memref<1x64xf32, #tpu.memory_space<vmem>>, vector<1x64xf32>,
    } else {
    }
    return
  }
  func.func @transform_0(%arg0: i32) -> (i32, i32) {
    %c0_i32 = arith.constant 0 : i32
    %c0_i32_0 = arith.constant 0 : i32
    return %c0_i32, %arg0 : i32, i32
  }
  func.func @transform_1(%arg0: i32) -> (i32, i32) {
    %c0_i32 = arith.constant 0 : i32
    %c0_i32_0 = arith.constant 0 : i32
    return %c0_i32, %arg0 : i32, i32
  }
  func.func @transform_2(%arg0: i32) -> (i32, i32) {
    %c0_i32 = arith.constant 0 : i32
    %c0_i32_0 = arith.constant 0 : i32
    return %c0_i32, %arg0 : i32, i32
  }
  func.func @transform_3(%arg0: i32) -> (i32, i32) {
    %c0_i32 = arith.constant 0 : i32
    %c0_i32_0 = arith.constant 0 : i32
    %c0_i32_1 = arith.constant 0 : i32
    return %c0_i32, %c0_i32_0 : i32, i32
  }
  func.func @transform_4(%arg0: i32) -> (i32, i32) {
    %c0_i32 = arith.constant 0 : i32
    %c0_i32_0 = arith.constant 0 : i32
    %c0_i32_1 = arith.constant 0 : i32
    return %c0_i32, %c0_i32_0 : i32, i32
  }
}

</mosaic_0001>

<sc_bundles>
// kernel: kernel.4.cloned.1.call-start
scs
__scs_entry_jumppad:
0x0: {  	(pc) =	sbr.rel $0x88, $3  }
0x1: {  	(tag) =	ssettag $0x0;
	lr =	simm.s32 $0x1  }
0x2: {  	[smem:$0x3F9E] =	sst lr;
	_ =	strace $0xD0000000  }
0x3: {  	_ = 	snop  }
0x4: {  	_ = 	snop  }
0x5: {  	_ = 	snop  }
0x6: {  	_ = 	snop  }
0x7: {  	_ = 	snop  }
__scs_overlays_trampoline_lowered:
0x8: {  	[smem:$0x3FAD] =	sst s0  }
0x9: {  	[smem:$0x3FAE] =	sst s1  }
0xa: {  	[smem:$0x3FAF] =	sst s2  }
0xb: {  	[smem:$0x3FB0] =	sst s3  }
0xc: {  	[smem:$0x3FB1] =	sst s4  }
0xd: {  	[smem:$0x3FB2] =	sst s5  }
0xe: {  	[smem:$0x3FB3] =	sst s6  }
0xf: {  	[smem:$0x3FB4] =	sst s7  }
0x10: {  	[smem:$0x3FB5] =	sst s8  }
0x11: {  	[smem:$0x3FB6] =	sst s9;
	s0 =	simm.s32 @!p0 $0x0  }
0x12: {  	s1 =	sld [smem:$0x3F9C];
	s0 =	simm.s32 @p0 $0x1  }
0x13: {  	[smem:$0x3FB7] =	sst s0;
	s0 =	simm.s32 @!p1 $0x0  }
0x14: {  	s2 =	sld [smem:$0x3F9B];
	s0 =	simm.s32 @p1 $0x1  }
0x15: {  	[smem:$0x3FB8] =	sst s0;
	s0 =	simm.s32 @!p2 $0x0  }
0x16: {  	s3 =	sld [smem:$0x3FDB];
	s0 =	simm.s32 @p2 $0x1  }
0x17: {  	s4 =	simm.s32 $0x1BF5;
	[smem:$0x3FBA] =	sst s0  }
0x18: {  	s0 =	sld [smem:$0x3F9D];
	_ =	swait.ge [sflag:s4], $0x0  }
0x19: {  	s7 =	sld [smem:$0x3F9E]  }
0x1a: {  	s8 =	sadd.s32 $0xFFFFE003, lr  }
0x1b: {  	s9 =	sadd.s32 $0xFFFFFEF7, lr;
	s5 =	simm.s32 $0xFFFFFFFF;
	p2 =	slt.u32 s8, $0xFFFFF086  }
0x1c: {  	p1 =	slt.u32 s9, $0xF7A;
	s5 =	simm.s32 @!p2 $0x0  }
0x1d: {  	s5 =	simm.s32 @p1 $0x1;
	p0 =	seq.s32 s7, s2  }
0x1e: {  	s7 =	smul.u32 @!p0 $0xF7A, s2;
	p2 =	seq.s32 @!p0 s5, $0x0  }
0x1f: {  	s9 =	smul.u32 $0xF7A, s1;
	s8 =	simm.s32 @!p0 $0x1BF5;
	p2 =	por !p2, p0  }
0x20: {  	[sflag:s8] =	ssyncset.s32 @!p0 $0xFFFFF086;
	s6 =	sadd.s32 @!p0 s3, s7;
	s7 =	simm.s32 @!p0 $0x108  }
0x21: {  	s3 =	sadd.s32 s3, s9;
	s6 =	sadd.s32 @!p0 $0x88, s6;
	s7 =	simm.s32 @p2 $0x1082  }
0x22: {  	[simem:s7], [sflag:s8] =	dma.local @!p0 [hbm:s6], $0xF7A  }
0x23: {  	s9 =	sor.u32 $0xD0000000, s2;
	s6 =	simm.s32 $0x108;
	_ =	swait.ge @!p0 [sflag:s8], $0x0  }
0x24: {  	s3 =	sadd.s32 $0x88, s3;
	s6 =	simm.s32 @!p1 $0x1082;
	[sflag:s4] =	ssyncset.s32 $0xFFFFF086  }
0x25: {  	[simem:s6], [sflag:s4] =	dma.local [hbm:s3], $0xF7A  }
0x26: {  	[smem:$0x3F9E] =	sst s1;
	(tag) =	ssettag s2;
	_ =	strace s9  }
0x27: {  	s1 =	sld [smem:$0x3FAE]  }
0x28: {  	s2 =	sld [smem:$0x3FAF]  }
0x29: {  	s4 =	sld [smem:$0x3FB1]  }
0x2a: {  	p0 =	seq.s32 s5, $0x0;
	s5 =	sld [smem:$0x3FB2]  }
0x2b: {  	s6 =	sld [smem:$0x3FB3]  }
0x2c: {  	s7 =	sld [smem:$0x3FB4]  }
0x2d: {  	s3 =	simm.s32 $0x108;
	s8 =	sld [smem:$0x3FB5]  }
0x2e: {  	s3 =	simm.s32 @!p0 $0x1082;
	s9 =	sld [smem:$0x3FB6]  }
0x2f: {  	lr =	sadd.s32 s0, s3;
	s0 =	sld [smem:$0x3FAD]  }
0x30: {  	s3 =	sld [smem:$0x3FB0]  }
0x31: {  	[smem:$0x3FB9] =	sst s10  }
0x32: {  	s10 =	sld [smem:$0x3FB7];
	_ =	sdelay $0x3  }
0x33: {  	p0 =	seq.s32 s10, $0x1;
	s10 =	sld [smem:$0x3FB9];
	_ =	sdelay $0x3  }
0x34: {  	[smem:$0x3FB9] =	sst s10  }
0x35: {  	s10 =	sld [smem:$0x3FB8];
	_ =	sdelay $0x3  }
0x36: {  	p1 =	seq.s32 s10, $0x1;
	s10 =	sld [smem:$0x3FB9];
	_ =	sdelay $0x3  }
0x37: {  	[smem:$0x3FB9] =	sst s10  }
0x38: {  	s10 =	sld [smem:$0x3FBA]  }
0x39: {  	_ = 	snop;
	(pc) =	sbr.ind lr, $3  }
0x3a: {  	_ = 	snop  }
0x3b: {  	_ = 	snop  }
0x3c: {  	p2 =	seq.s32 s10, $0x1;
	s10 =	sld [smem:$0x3FB9]  }
0x3d: {  	_ =	shalt  }
0x3e: {  	_ =	shalt  }
0x3f: {  	_ =	shalt  }
0x40: {  	_ =	shalt  }
0x41: {  	_ =	shalt  }
0x42: {  	_ =	shalt  }
0x43: {  	_ =	shalt  }
0x44: {  	_ =	shalt  }
0x45: {  	_ =	shalt  }
0x46: {  	_ =	shalt  }
0x47: {  	_ =	shalt  }
0x48: {  	_ =	shalt  }
0x49: {  	_ =	shalt  }
0x4a: {  	_ =	shalt  }
0x4b: {  	_ =	shalt  }
0x4c: {  	_ =	shalt  }
0x4d: {  	_ =	shalt  }
0x4e: {  	_ =	shalt  }
0x4f: {  	_ =	shalt  }
0x50: {  	_ =	shalt  }
0x51: {  	_ =	shalt  }
0x52: {  	_ =	shalt  }
0x53: {  	_ =	shalt  }
0x54: {  	_ =	shalt  }
0x55: {  	_ =	shalt  }
0x56: {  	_ =	shalt  }
0x57: {  	_ =	shalt  }
0x58: {  	_ =	shalt  }
0x59: {  	_ =	shalt  }
0x5a: {  	_ =	shalt  }
0x5b: {  	_ =	shalt  }
0x5c: {  	_ =	shalt  }
0x5d: {  	_ =	shalt  }
0x5e: {  	_ =	shalt  }
0x5f: {  	_ =	shalt  }
0x60: {  	_ =	shalt  }
0x61: {  	_ =	shalt  }
0x62: {  	_ =	shalt  }
0x63: {  	_ =	shalt  }
0x64: {  	_ =	shalt  }
0x65: {  	_ =	shalt  }
0x66: {  	_ =	shalt  }
0x67: {  	_ =	shalt  }
0x68: {  	_ =	shalt  }
0x69: {  	_ =	shalt  }
0x6a: {  	_ =	shalt  }
0x6b: {  	_ =	shalt  }
0x6c: {  	_ =	shalt  }
0x6d: {  	_ =	shalt  }
0x6e: {  	_ =	shalt  }
0x6f: {  	_ =	shalt  }
0x70: {  	_ =	shalt  }
0x71: {  	_ =	shalt  }
0x72: {  	_ =	shalt  }
0x73: {  	_ =	shalt  }
0x74: {  	_ =	shalt  }
0x75: {  	_ =	shalt  }
0x76: {  	_ =	shalt  }
0x77: {  	_ =	shalt  }
0x78: {  	_ =	shalt  }
0x79: {  	_ =	shalt  }
0x7a: {  	_ =	shalt  }
0x7b: {  	_ =	shalt  }
0x7c: {  	_ =	shalt  }
0x7d: {  	_ =	shalt  }
0x7e: {  	_ =	shalt  }
0x7f: {  	_ =	shalt  }
0x80: {  	_ =	shalt  }
0x81: {  	_ =	shalt  }
0x82: {  	_ =	shalt  }
0x83: {  	_ =	shalt  }
0x84: {  	_ =	shalt  }
0x85: {  	_ =	shalt  }
0x86: {  	_ =	shalt  }
0x87: {  	_ =	shalt  }
.Lfunc_end0:
.L_simem_size_0:
called_computation_lowered:
.L_overlay_start_0:
0x88: {  	s2 =	sld [smem:$0x3FD9]  }
0x89: {  	s3 =	sld [smem:$0x3FFE];
	_ =	sdelay $0x1  }
0x8a: {  	s1 =	srdreg.scid  }
0x8b: {  	s0 =	sand.u32 $0x1, s1  }
0x8c: {  	s17 =	sshll.u32 s0, $0xA;
	s2 =	sadd.s32 s3, s2  }
0x8d: {  	s2 =	sadd.s32 s2, s17  }
0x8e: {  	[smem:$0x3FC5] =	sst s2  }
0x8f: {  	_ = 	snop  }
0x90: {  	s2 =	sld [smem:$0x3FC9];
	(tm) =	ssettm $0x1  }
0x91: {  	s18 =	sld [smem:$0x3FFB];
	_ =	sdelay $0x3  }
0x92: {  	_ =	strace s18  }
0x93: {  	s3 =	sld [smem:$0x3FFC];
	_ =	sdelay $0x3  }
0x94: {  	_ =	strace s3  }
0x95: {  	s3 =	sld [smem:$0x3FFD];
	_ =	sdelay $0x3  }
0x96: {  	_ =	strace s3  }
0x97: {  	_ =	strace $0x8FFFFFFF  }
0x98: {  	s19 =	sld [smem:$0x3FDB];
	_ =	sdelay $0x1  }
0x99: {  	s4 =	simm.s32 $_scs_section_size  }
0x9a: {  	s5 =	simm.s32 $_size__tile_overlayer_lowered;
	s6 =	simm.s32 $_tile_overlayer_lowered  }
0x9b: {  	s22 =	simm.s32 $0x1BFF;
	s21 =	sshll.u32 s6, $0x1;
	s3 =	sadd.s32 s4, s19  }
0x9c: {  	s7 =	simm.s32 $0x0;
	s20 =	sshll.u32 s5, $0x1;
	s5 =	sadd.s32 s21, s3  }
0x9d: {  	[timem:s7], [sflag:s22] =	dma.local [hbm:s5], s20  }
0x9e: {  	_ =	swait.ge [sflag:s22], s20  }
0x9f: {  	s4 =	ssub.s32 $0x0, s20;
	[sflag:s22] =	ssyncset.done $0x0  }
0xa0: {  	[sflag:s22] =	ssyncadd.s32 s4;
	_ =	sdelay $0x1  }
0xa1: {  	s23 =	simm.s32 $0x1B8B  }
0xa2: {  	_ =	swait.ge [sflag:s23], $0x1  }
0xa3: {  	[sflag:s23] =	ssyncset.done $0x0  }
0xa4: {  	s25 =	simm.s32 $0x1B8E;
	s24 =	sld [smem:$0x3FFE];
	[sflag:s23] =	ssyncadd.s32 $0xFFFFFFFF  }
0xa5: {  	s26 =	simm.s32 $execute0_lowered;
	[smem:$0x3FD2] =	sst s25  }
0xa6: {  	s5 =	sshll.u32 s26, $0x1;
	_ =	strace $0x80000046;
	[dreg:$0x1] =	wrdreg $0xFFFFFFFF  }
0xa7: {  	s28 =	simm.s32 $_size_execute0_lowered;
	s3 =	sadd.s32 s3, s5;
	[dreg:$0x0] =	wrdreg $0x0  }
0xa8: {  	s5 =	sshll.u32 s28, $0x1;
	[dreg:$0x2] =	wrdreg s3  }
0xa9: {  	[dreg:$0x3] =	wrdreg s5  }
0xaa: {  	[dreg:$0x4] =	wrdreg $0xC0  }
0xab: {  	_ =	task [dreg:s7], $0x5FFFF  }
0xac: {  	[dreg:$0x1] =	wrdreg $0xFFFFFFFF  }
0xad: {  	[dreg:$0x0] =	wrdreg $0x60  }
0xae: {  	[dreg:$0x2] =	wrdreg s2  }
0xaf: {  	[dreg:$0x3] =	wrdreg s24  }
0xb0: {  	[dreg:$0x4] =	wrdreg $0x22800  }
0xb1: {  	[dreg:$0x5] =	wrdreg $0x9  }
0xb2: {  	_ =	task.clear_ibuf [dreg:s7], $0x6FFFF;
	_ =	strace $0x90000046  }
0xb3: {  	s29 =	simm.s32 $0x9;
	_ =	strace $0x80000048  }
0xb4: {  	_ =	swait.ge [sflag:s29], $0x1  }
0xb5: {  	[sflag:s29] =	ssyncadd.s32 $0xFFFFFFFF  }
0xb6: {  	_ =	strace $0x90000048  }
0xb7: {  	_ =	sfence  }
0xb8: {  	s30 =	sld [smem:$0x0];
	_ =	sdelay $0x2  }
0xb9: {  	s31 =	sshll.u32 s1, $0xD;
	s1 =	sshrl.u32 s1, $0x2  }
0xba: {  	s3 =	sand.u32 $0x4000, s31;
	s1 =	sadd.s32 s1, s30  }
0xbb: {  	s0 =	sor.u32 s3, s0;
	s1 =	sshll.u32 s1, $0x11  }
0xbc: {  	s0 =	sor.u32 s1, s0  }
0xbd: {  	s0 =	sadd.s32 $0x8F2B, s0  }
0xbe: {  	[sflag:s0] =	ssyncadd.remote.s32 $0x1  }
0xbf: {  	_ =	sfence.sel $0xFFFF  }
0xc0: {  	[dreg:$0x0] =	wrdreg $0xFFFFFFFF;
	(pc) =	sbr.abs _section_cstart, $3  }
0xc1: {  	[dreg:$0x1] =	wrdreg $0xFFFFFFFF  }
0xc2: {  	_ =	task.clear_ibuf [dreg:s7], $0x2FFFF;
	_ =	strace $0x9FFFFFFF  }
0xc3: {  	(tm) =	ssettm $0x7FFFFFFF  }
tec
execute0_lowered:
.L_overlay_start_1:
0x0: {  	(tag) =	ssettag $0x1  }
0x1: {  	s6 =	rddreg [dreg:$0x0]  }
0x2: {  	s5 =	rddreg [dreg:$0x1]  }
0x3: {  	s1 =	rddreg [dreg:$0x2]  }
0x4: {  	s0 =	rddreg [dreg:$0x3];
	s3 =	simm.s32 $0x0;
	s4 =	srdreg.scid  }
0x5: {  	s2 =	stileid.u32;
	s20 =	simm.s32 $0x80;
	s21 =	simm.s32 $0x100  }
0x6: {  	s22 =	simm.s32 $0x180;
	s24 =	simm.s32 $0x1;
	s26 =	simm.s32 $0x200  }
0x7: {  	s28 =	simm.s32 $0x0;
	[smem:$0x7FF] =	sst s3;
	s18 =	sand.u32 $0x1, s4  }
0x8: {  	s7 =	sshll.u32 s2, $0x7;
	s4 =	sadd.s32 $0xE00, s5;
	s5 =	sadd.s32 $0x20E00, s5  }
0x9: {  	s10 =	sshll.u32 s2, $0x10;
	p0 =	seq.s32 s2, $0x0;
	_ =	strace $0x80000047  }
0xa: {  	s8 =	sshll.u32 s18, $0x6;
	s9 =	ssub.s32 $0x2, s18;
	s10 =	sadd.s32 s10, s1  }
0xb: {  	p1 =	seq.s32 s18, $0x1;
	s23 =	sor.u32 s18, s2;
	s7 =	sor.u32 s8, s7  }
0xc: {  	s31 =	sshrl.u32 s9, $0x1;
	s11 =	sadd.s32 $0x2000, s10;
	s12 =	sadd.s32 $0x4000, s10  }
0xd: {  	s13 =	sadd.s32 $0x6000, s10;
	s14 =	sadd.s32 $0x8000, s10;
	s15 =	sadd.s32 $0xA000, s10  }
0xe: {  	s16 =	sadd.s32 $0xC000, s10;
	p0 =	por !p0, !p1;
	s17 =	sadd.s32 $0xE000, s10  }
0xf: {  	p1 =	sne.s32 s23, $0x0;
	s23 =	simm.s32 $0x280;
	s6 =	sadd.s32 s6, s7  }
0x10: {  	s19 =	ssub.s32 s9, s31;
	p0 =	por !p0, !p0;
	s25 =	sshll.u32 @!p1 s2, $0x6  }
0x11: {  	s7 =	sadd.s32 $0x10, s6;
	s8 =	sadd.s32 $0x20, s6;
	s9 =	sadd.s32 $0x30, s6  }
0x12: {  	v0 =	vimm.f32 $1.000000000e+00;
	v1 =	vimm.f32 $0.0e+00;
	s18 =	smax.u32 s19, $0x1;
	s19 =	simm.s32 $0x2;
	s25 =	sor.u32 @!p1 $0x1C02, s25  }
.LBB2_1:
0x13: {  	[tilespmem:s3], [sflag:$0x2] =	stream.linear.gather [hbm4b:s6+s3], $0x80, $0x38;
	[tilespmem:$0x12280] =	vst v63  }
0x14: {  	_ =	swait.ge [sflag:s19], $0x80  }
0x15: {  	[sflag:s19] =	ssyncset.done $0x0  }
0x16: {  	[sflag:s19] =	ssyncadd.s32 $0xFFFFFF80  }
0x17: {  	[tilespmem:s20], [sflag:$0x2] =	stream.linear.gather [hbm4b:s7+s3], $0x80, $0x38;
	[tilespmem:$0x12280] =	vst v63  }
0x18: {  	_ =	swait.ge [sflag:s19], $0x80  }
0x19: {  	[sflag:s19] =	ssyncset.done $0x0  }
0x1a: {  	[sflag:s19] =	ssyncadd.s32 $0xFFFFFF80  }
0x1b: {  	[tilespmem:s21], [sflag:$0x2] =	stream.linear.gather [hbm4b:s8+s3], $0x80, $0x38;
	[tilespmem:$0x12280] =	vst v63  }
0x1c: {  	_ =	swait.ge [sflag:s19], $0x80  }
0x1d: {  	[sflag:s19] =	ssyncset.done $0x0  }
0x1e: {  	[sflag:s19] =	ssyncadd.s32 $0xFFFFFF80  }
0x1f: {  	[tilespmem:s22], [sflag:$0x2] =	stream.linear.gather [hbm4b:s9+s3], $0x80, $0x38;
	[tilespmem:$0x12280] =	vst v63  }
0x20: {  	_ =	swait.ge [sflag:s19], $0x80  }
0x21: {  	[sflag:s19] =	ssyncset.done $0x0  }
0x22: {  	[sflag:s19] =	ssyncadd.s32 $0xFFFFFF80  }
0x23: {  	[tilespmem:$0x200] =	vst v0  }
0x24: {  	[tilespmem:$0x210] =	vst v0  }
0x25: {  	[tilespmem:$0x220] =	vst v0  }
0x26: {  	[tilespmem:$0x230] =	vst v0  }
0x27: {  	[tilespmem:$0x240] =	vst v0  }
0x28: {  	[tilespmem:$0x250] =	vst v0  }
0x29: {  	[tilespmem:$0x260] =	vst v0  }
0x2a: {  	s29 =	simm.s32 $0x40;
	s30 =	simm.s32 $0x0;
	[tilespmem:$0x270] =	vst v0  }
.LBB2_2:
0x2b: {  	p2 =	sne.s32 s29, $0x7FC0;
	[tilespmem:s30+$0x280] =	vst v1;
	s30 =	smov.u32 s29;
	s29 =	sadd.s32 $0x40, s29  }
.Ltmp0:
0x2c: {  	(pc) =	sbr.rel @p2 .LBB2_2-.Ltmp0, $2  }
0x2d: {  	_ =	sdelay $0x2  }
0x2e: {  	s30 =	sshra.s32 s30, $0x2  }
0x2f: {  	[tilespmem:s30+$0x280] =	vst v1  }
0x30: {  	[spmem:s10] =	stream.linear.scatter [tilespmem:s23], [sflag:$0x1], $0x2000, $0x38;
	[tilespmem:$0x12280] =	vst v63  }
0x31: {  	_ = 	snop  }
0x32: {  	[spmem:s11] =	stream.linear.scatter [tilespmem:s23], [sflag:$0x1], $0x2000, $0x38;
	[tilespmem:$0x12280] =	vst v63  }
0x33: {  	_ = 	snop  }
0x34: {  	[spmem:s12] =	stream.linear.scatter [tilespmem:s23], [sflag:$0x1], $0x2000, $0x38;
	[tilespmem:$0x12280] =	vst v63  }
0x35: {  	_ = 	snop  }
0x36: {  	[spmem:s13] =	stream.linear.scatter [tilespmem:s23], [sflag:$0x1], $0x2000, $0x38;
	[tilespmem:$0x12280] =	vst v63  }
0x37: {  	_ = 	snop  }
0x38: {  	[spmem:s14] =	stream.linear.scatter [tilespmem:s23], [sflag:$0x1], $0x2000, $0x38;
	[tilespmem:$0x12280] =	vst v63  }
0x39: {  	_ = 	snop  }
0x3a: {  	[spmem:s15] =	stream.linear.scatter [tilespmem:s23], [sflag:$0x1], $0x2000, $0x38;
	[tilespmem:$0x12280] =	vst v63  }
0x3b: {  	_ = 	snop  }
0x3c: {  	[spmem:s16] =	stream.linear.scatter [tilespmem:s23], [sflag:$0x1], $0x2000, $0x38;
	[tilespmem:$0x12280] =	vst v63  }
0x3d: {  	_ = 	snop  }
0x3e: {  	[spmem:s17] =	stream.linear.scatter [tilespmem:s23], [sflag:$0x1], $0x2000, $0x38;
	[tilespmem:$0x12280] =	vst v63  }
0x3f: {  	_ =	swait.ge [sflag:s24], $0x2000  }
0x40: {  	[sflag:s24] =	ssyncset.done $0x0  }
0x41: {  	[sflag:s24] =	ssyncadd.s32 $0xFFFFE000  }
0x42: {  	_ =	swait.ge [sflag:s24], $0x2000  }
0x43: {  	[sflag:s24] =	ssyncset.done $0x0  }
0x44: {  	[sflag:s24] =	ssyncadd.s32 $0xFFFFE000  }
0x45: {  	_ =	swait.ge [sflag:s24], $0x2000  }
0x46: {  	[sflag:s24] =	ssyncset.done $0x0  }
0x47: {  	[sflag:s24] =	ssyncadd.s32 $0xFFFFE000  }
0x48: {  	_ =	swait.ge [sflag:s24], $0x2000  }
0x49: {  	[sflag:s24] =	ssyncset.done $0x0  }
0x4a: {  	[sflag:s24] =	ssyncadd.s32 $0xFFFFE000  }
0x4b: {  	_ =	swait.ge [sflag:s24], $0x2000  }
0x4c: {  	[sflag:s24] =	ssyncset.done $0x0  }
0x4d: {  	[sflag:s24] =	ssyncadd.s32 $0xFFFFE000  }
0x4e: {  	_ =	swait.ge [sflag:s24], $0x2000  }
0x4f: {  	[sflag:s24] =	ssyncset.done $0x0  }
0x50: {  	[sflag:s24] =	ssyncadd.s32 $0xFFFFE000  }
0x51: {  	_ =	swait.ge [sflag:s24], $0x2000  }
0x52: {  	[sflag:s24] =	ssyncset.done $0x0  }
0x53: {  	[sflag:s24] =	ssyncadd.s32 $0xFFFFE000  }
0x54: {  	_ =	swait.ge [sflag:s24], $0x2000  }
0x55: {  	[sflag:s24] =	ssyncset.done $0x0  }
0x56: {  	[sflag:s24] =	ssyncadd.s32 $0xFFFFE000  }
0x57: {  	[bflag:$0x0] =	sbarrier.arrive $0xFFFF  }
0x58: {  	[spmem:s1] =	stream.indirect.scatter.add.f32 [tilespmem:s26], [sflag:$0x2], $0x1, s3, s20, $0xb8;
	[tilespmem:$0x12280] =	vst v63  }
0x59: {  	_ =	swait.ge [sflag:s19], $0x80  }
0x5a: {  	[sflag:s19] =	ssyncset.done $0x0  }
0x5b: {  	[sflag:s19] =	ssyncadd.s32 $0xFFFFFF80  }
0x5c: {  	[spmem:s1] =	stream.indirect.scatter.add.f32 [tilespmem:s26], [sflag:$0x2], $0x1, s20, s20, $0xb8;
	[tilespmem:$0x12280] =	vst v63  }
0x5d: {  	_ =	swait.ge [sflag:s19], $0x80  }
0x5e: {  	[sflag:s19] =	ssyncset.done $0x0  }
0x5f: {  	[sflag:s19] =	ssyncadd.s32 $0xFFFFFF80  }
0x60: {  	[spmem:s1] =	stream.indirect.scatter.add.f32 [tilespmem:s26], [sflag:$0x2], $0x1, s21, s20, $0xb8;
	[tilespmem:$0x12280] =	vst v63  }
0x61: {  	_ =	swait.ge [sflag:s19], $0x80  }
0x62: {  	[sflag:s19] =	ssyncset.done $0x0  }
0x63: {  	[sflag:s19] =	ssyncadd.s32 $0xFFFFFF80  }
0x64: {  	[spmem:s1] =	stream.indirect.scatter.add.f32 [tilespmem:s26], [sflag:$0x2], $0x1, s22, s20, $0xb8;
	[tilespmem:$0x12280] =	vst v63  }
0x65: {  	_ =	swait.ge [sflag:s19], $0x80  }
0x66: {  	[sflag:s19] =	ssyncset.done $0x0  }
0x67: {  	[sflag:s19] =	ssyncadd.s32 $0xFFFFFF80  }
0x68: {  	s29 =	sshrl.u32 @!p1 s1, $0x3;
	[bflag:$0x0] =	sbarrier.arrive $0xFFFF  }
0x69: {  	[hbm:s4], [sflag:s25] =	dma.local @!p1 [spmem:s29], $0x20000  }
0x6a: {  	s29 =	simm.s32 @!p1 $0x2  }
0x6b: {  	_ =	swait.ge @!p1 [sflag:s29], $0x20000  }
0x6c: {  	s30 =	simm.s32 @p0 $0x1C02;
	s28 =	sadd.s32 $0x1, s28;
	[sflag:s29] =	ssyncset.done @!p1 $0x0  }
0x6d: {  	p2 =	sne.s32 s28, s18;
	[sflag:s29] =	ssyncadd.s32 @!p1 $0xFFFE0000;
	s29 =	sshrl.u32 @p0 s1, $0x3  }
0x6e: {  	[hbm:s5], [sflag:s30] =	dma.local @p0 [spmem:s29], $0x20000  }
.Ltmp1:
0x6f: {  	_ = 	snop;
	(pc) =	sbr.rel @p2 .LBB2_1-.Ltmp1, $4  }
0x70: {  	s29 =	simm.s32 @p0 $0x2  }
0x71: {  	_ =	swait.ge @p0 [sflag:s29], $0x20000  }
0x72: {  	[sflag:s29] =	ssyncset.done @p0 $0x0  }
0x73: {  	[sflag:s29] =	ssyncadd.s32 @p0 $0xFFFE0000  }
0x74: {  	_ =	sfence.sel $0x180000  }
0x75: {  	[bflag:$0x0] =	sbarrier.arrive $0xFFFF  }
0x76: {  	p0 =	sne.s32 s2, $0x0;
	_ =	strace $0x90000047  }
0x77: {  	s0 =	sadd.s32 @!p0 $0x100000, s0;
	[bflag:$0x2] =	sbarrier.arrive $0xFFFF  }
0x78: {  	[sflag:s0] =	ssyncadd.tile.s32 @!p0 $0x1;
	_ =	shalt  }
.Lfunc_end2:
_tile_overlayer_lowered:
.L_overlay_start_2:
0x79: {  	(tag) =	ssettag $0x2  }
0x7a: {  	s0 =	rddreg [dreg:$0x0];
	s2 =	stileid.u32  }
0x7b: {  	s1 =	rddreg [dreg:$0x1];
	p0 =	sne.s32 s2, $0x0  }
0x7c: {  	s3 =	rddreg [dreg:$0x2];
	[bflag:$0x3] =	sbarrier.arrive $0xFFFF;
	s2 =	simm.s32 @!p0 $0x1C02  }
0x7d: {  	[timem:s3], [sflag:s2] =	dma.local @!p0 [hbm:s0], s1  }
0x7e: {  	s0 =	simm.s32 @!p0 $0x2  }
0x7f: {  	_ =	swait.ge @!p0 [sflag:s0], s1  }
0x80: {  	s1 =	ssub.s32 @!p0 $0x0, s1;
	[sflag:s0] =	ssyncset.done @!p0 $0x0  }
0x81: {  	[sflag:s0] =	ssyncadd.s32 @!p0 s1  }
0x82: {  	[bflag:$0x3] =	sbarrier.arrive $0xFFFF  }
0x83: {  	_ =	shalt  }

</sc_bundles>
